<compile_context>
chip_gen: v7x
topology: tpu7x:2x2x1
jax: 0.10.2.dev20260603
libtpu: 0.0.44.dev20260713+nightly
codegen_flags: <defaults>
</compile_context>

<pallas_src>
import functools

import jax
import jax.numpy as jnp
from jax import lax
from jax.experimental import pallas as pl
from jax.experimental.pallas import tpu as pltpu
from jax.experimental.pallas import tpu_sc as plsc

SITE_EMBED_DIM = 64
OUT_DIM = SITE_EMBED_DIM + 1
PAD_DIM = 72
BATCH = 16384

NUM_CORES = 2
NUM_SUBCORES = 16
NUM_WORKERS = NUM_CORES * NUM_SUBCORES
ROWS_PER_WORKER = BATCH // NUM_WORKERS
GATHER_CHUNK = 128
NUM_CHUNKS = ROWS_PER_WORKER // GATHER_CHUNK


@functools.partial(
    pl.kernel,
    mesh=plsc.VectorSubcoreMesh(core_axis_name="c", subcore_axis_name="s"),
    out_type=jax.ShapeDtypeStruct((BATCH, 128), jnp.float32),
    compiler_params=pltpu.CompilerParams(use_tc_tiling_on_sc=False),
    scratch_types=[
        pltpu.VMEM((NUM_CHUNKS, GATHER_CHUNK), jnp.int32),
        pltpu.VMEM((GATHER_CHUNK, SITE_EMBED_DIM), jnp.float32),
        pltpu.VMEM((GATHER_CHUNK, SITE_EMBED_DIM), jnp.float32),
        pltpu.VMEM((GATHER_CHUNK, SITE_EMBED_DIM), jnp.float32),
        pltpu.VMEM((GATHER_CHUNK, SITE_EMBED_DIM), jnp.float32),
        pltpu.SemaphoreType.DMA,
        pltpu.SemaphoreType.DMA,
        pltpu.SemaphoreType.DMA,
        pltpu.SemaphoreType.DMA,
        pltpu.SemaphoreType.DMA,
        pltpu.SemaphoreType.DMA,
    ],
)
def _sc_embed_gather(table_hbm, idx_hbm, out_hbm,
                     idx_v, rows0, rows1, rows2, rows3,
                     sem_idx, sem_g0, sem_g1, sem_g2, sem_g3, sem_w):
    row_bufs = [rows0, rows1, rows2, rows3]
    gather_sems = [sem_g0, sem_g1, sem_g2, sem_g3]

    wid = lax.axis_index("s") * NUM_CORES + lax.axis_index("c")
    base = wid * ROWS_PER_WORKER

    cp_idx = pltpu.async_copy(
        idx_hbm.at[pl.ds(wid * NUM_CHUNKS, NUM_CHUNKS), :], idx_v, sem_idx)

    cp_idx.wait()
    gathers = [
        pltpu.async_copy(table_hbm.at[idx_v.at[c]], row_bufs[c], gather_sems[c])
        for c in range(NUM_CHUNKS)
    ]

    writes = []
    for c in range(NUM_CHUNKS):
        gathers[c].wait()
        writes.append(
            pltpu.async_copy(
                row_bufs[c],
                out_hbm.at[pl.ds(base + c * GATHER_CHUNK, GATHER_CHUNK),
                           pl.ds(0, SITE_EMBED_DIM)],
                sem_w))

    for w in writes:
        w.wait()


def kernel(x_site, x_floor, embed_site):
    idx = x_site.astype(jnp.int32).reshape(NUM_WORKERS * NUM_CHUNKS,
                                           GATHER_CHUNK)
    gathered = _sc_embed_gather(embed_site, idx)
    g65 = gathered[:, :OUT_DIM]
    col = jax.lax.broadcasted_iota(jnp.int32, (1, OUT_DIM), 1)
    return jnp.where(col == SITE_EMBED_DIM, x_floor, g65)

# --- scband reference (transcript-rebuilt; emitter-appended) ---
"""Pipeline reference for scband-build-model-11957188952465 (READ-ONLY COPY).

The authoritative reference and input builder live on the scoring server;
editing this copy changes nothing except your own understanding.
"""

import jax, jax.numpy as jnp
import numpy as np

SITE_EMBED_DIM = 64
NUM_SITES = 205 + 1
BATCH = 16384

def setup_inputs(seed: int = 0) -> dict:
    key = jax.random.key(seed)
    k1, k2, k3 = jax.random.split(key, 3)
    x_site = jax.random.randint(k1, (BATCH,), 0, NUM_SITES, dtype=jnp.int64 if jax.config.read('jax_enable_x64') else jnp.int32)
    x_floor = jax.random.normal(k2, (BATCH, 1), dtype=jnp.float32)
    embed_site = jax.random.normal(k3, (NUM_SITES, SITE_EMBED_DIM), dtype=jnp.float32) * 0.02
    return {"x_site": x_site, "x_floor": x_floor, "embed_site": embed_site}

def reference(x_site, x_floor, embed_site):
    # nn.Embedding lookup -> gather rows of table
    e = jnp.take(embed_site, x_site, axis=0)
    e = e.reshape(-1, SITE_EMBED_DIM)
    out = jnp.concatenate((e, x_floor), axis=1)
    return out

if __name__ == "__main__":
    import jax
    _d = setup_inputs()
    print(jax.jit(kernel)(*tuple(_d.values())))

</pallas_src>

<mosaic_0001>
#map = affine_map<(d0, d1) -> (0, 0)>
module attributes {stable_mosaic.version = 14 : i64} {
  func.func @_sc_embed_gather(%arg0: i32, %arg1: i32, %arg2: memref<206x64xf32, #tpu.memory_space<hbm>>, %arg3: memref<128x128xi32, #tpu.memory_space<hbm>>, %arg4: memref<16384x128xf32, #tpu.memory_space<hbm>>, %arg5: memref<4x128xi32, #tpu.memory_space<vmem>>, %arg6: memref<128x64xf32, #tpu.memory_space<vmem>>, %arg7: memref<128x64xf32, #tpu.memory_space<vmem>>, %arg8: memref<128x64xf32, #tpu.memory_space<vmem>>, %arg9: memref<128x64xf32, #tpu.memory_space<vmem>>, %arg10: memref<!tpu.dma_semaphore, #tpu.memory_space<semaphore_mem>>, %arg11: memref<!tpu.dma_semaphore, #tpu.memory_space<semaphore_mem>>, %arg12: memref<!tpu.dma_semaphore, #tpu.memory_space<semaphore_mem>>, %arg13: memref<!tpu.dma_semaphore, #tpu.memory_space<semaphore_mem>>, %arg14: memref<!tpu.dma_semaphore, #tpu.memory_space<semaphore_mem>>, %arg15: memref<!tpu.dma_semaphore, #tpu.memory_space<semaphore_mem>>) attributes {dimension_semantics = [#tpu.dimension_semantics<core_parallel>, #tpu.dimension_semantics<subcore_parallel>], iteration_bounds = array<i64: 2, 16>, scalar_prefetch = 0 : i64, scratch_operands = 11 : i64, tpu.core_type = #tpu.core_type<sc_vector_subcore>, window_params = [{transform_indices = #map}, {transform_indices = #map}, {transform_indices = #map}]} {
    %mul3A = arith.constant 2 : i32
    %mul3A_0 = arith.muli %arg1, %mul3A : i32
    %add3A = arith.addi %mul3A_0, %arg0 : i32
    %mul3A_1 = arith.constant 512 : i32
    %mul3A_2 = arith.muli %add3A, %mul3A_1 : i32
    %mul3A_3 = arith.constant 4 : i32
    %mul3A_4 = arith.muli %add3A, %mul3A_3 : i32
    %dma_start3A = arith.constant 0 : i32
    %dma_start3A_5 = tpu.memref_slice %arg3[%mul3A_4, %dma_start3A] : memref<128x128xi32, #tpu.memory_space<hbm>> -> memref<4x128xi32, #tpu.memory_space<hbm>>
    %dma_start3A_6 = arith.constant 0 : i32
    %dma_start3A_7 = tpu.memref_slice %arg3[%mul3A_4, %dma_start3A_6] : memref<128x128xi32, #tpu.memory_space<hbm>> -> memref<4x128xi32, #tpu.memory_space<hbm>>
    tpu.enqueue_dma source(%dma_start3A_7 : memref<4x128xi32, #tpu.memory_space<hbm>>) target(%arg5 : memref<4x128xi32, #tpu.memory_space<vmem>>) target_semaphore(%arg10 : memref<!tpu.dma_semaphore, #tpu.memory_space<semaphore_mem>>)
    %dma_wait3A = arith.constant 0 : i32
    %dma_wait3A_8 = tpu.memref_slice %arg3[%mul3A_4, %dma_wait3A] : memref<128x128xi32, #tpu.memory_space<hbm>> -> memref<4x128xi32, #tpu.memory_space<hbm>>
    %dma_wait3A_9 = arith.constant 0 : i32
    %dma_wait3A_10 = tpu.memref_slice %arg3[%mul3A_4, %dma_wait3A_9] : memref<128x128xi32, #tpu.memory_space<hbm>> -> memref<4x128xi32, #tpu.memory_space<hbm>>
    tpu.wait_dma2 semaphore(%arg10 : memref<!tpu.dma_semaphore, #tpu.memory_space<semaphore_mem>>) src(%dma_wait3A_10 : memref<4x128xi32, #tpu.memory_space<hbm>>) dst(%arg5 : memref<4x128xi32, #tpu.memory_space<vmem>>)
    %dma_start3A_11 = arith.constant 0 : i32
    %dma_start3A_12 = arith.constant 0 : i32
    %dma_start3A_13 = tpu.memref_slice %arg5[%dma_start3A_11, %dma_start3A_12] : memref<4x128xi32, #tpu.memory_space<vmem>> -> memref<1x128xi32, #tpu.memory_space<vmem>>
    %dma_start3A_14 = tpu.memref_squeeze %dma_start3A_13 : memref<1x128xi32, #tpu.memory_space<vmem>> -> memref<128xi32, #tpu.memory_space<vmem>>
    %dma_start3A_15 = arith.constant 0 : i32
    %dma_start3A_16 = arith.constant 0 : i32
    %dma_start3A_17 = tpu.memref_slice %arg2[%dma_start3A_15, %dma_start3A_16] : memref<206x64xf32, #tpu.memory_space<hbm>> -> memref<206x64xf32, #tpu.memory_space<hbm>>
    tpu.enqueue_indirect_dma source(%dma_start3A_17 : memref<206x64xf32, #tpu.memory_space<hbm>>) target(%arg6 : memref<128x64xf32, #tpu.memory_space<vmem>>) offsets(%dma_start3A_14 : memref<128xi32, #tpu.memory_space<vmem>>) semaphore(%arg11 : memref<!tpu.dma_semaphore, #tpu.memory_space<semaphore_mem>>)
    %dma_start3A_18 = arith.constant 1 : i32
    %dma_start3A_19 = arith.constant 0 : i32
    %dma_start3A_20 = tpu.memref_slice %arg5[%dma_start3A_18, %dma_start3A_19] : memref<4x128xi32, #tpu.memory_space<vmem>> -> memref<1x128xi32, #tpu.memory_space<vmem>>
    %dma_start3A_21 = tpu.memref_squeeze %dma_start3A_20 : memref<1x128xi32, #tpu.memory_space<vmem>> -> memref<128xi32, #tpu.memory_space<vmem>>
    %dma_start3A_22 = arith.constant 0 : i32
    %dma_start3A_23 = arith.constant 0 : i32
    %dma_start3A_24 = tpu.memref_slice %arg2[%dma_start3A_22, %dma_start3A_23] : memref<206x64xf32, #tpu.memory_space<hbm>> -> memref<206x64xf32, #tpu.memory_space<hbm>>
    tpu.enqueue_indirect_dma source(%dma_start3A_24 : memref<206x64xf32, #tpu.memory_space<hbm>>) target(%arg7 : memref<128x64xf32, #tpu.memory_space<vmem>>) offsets(%dma_start3A_21 : memref<128xi32, #tpu.memory_space<vmem>>) semaphore(%arg12 : memref<!tpu.dma_semaphore, #tpu.memory_space<semaphore_mem>>)
    %dma_start3A_25 = arith.constant 2 : i32
    %dma_start3A_26 = arith.constant 0 : i32
    %dma_start3A_27 = tpu.memref_slice %arg5[%dma_start3A_25, %dma_start3A_26] : memref<4x128xi32, #tpu.memory_space<vmem>> -> memref<1x128xi32, #tpu.memory_space<vmem>>
    %dma_start3A_28 = tpu.memref_squeeze %dma_start3A_27 : memref<1x128xi32, #tpu.memory_space<vmem>> -> memref<128xi32, #tpu.memory_space<vmem>>
    %dma_start3A_29 = arith.constant 0 : i32
    %dma_start3A_30 = arith.constant 0 : i32
    %dma_start3A_31 = tpu.memref_slice %arg2[%dma_start3A_29, %dma_start3A_30] : memref<206x64xf32, #tpu.memory_space<hbm>> -> memref<206x64xf32, #tpu.memory_space<hbm>>
    tpu.enqueue_indirect_dma source(%dma_start3A_31 : memref<206x64xf32, #tpu.memory_space<hbm>>) target(%arg8 : memref<128x64xf32, #tpu.memory_space<vmem>>) offsets(%dma_start3A_28 : memref<128xi32, #tpu.memory_space<vmem>>) semaphore(%arg13 : memref<!tpu.dma_semaphore, #tpu.memory_space<semaphore_mem>>)
    %dma_start3A_32 = arith.constant 3 : i32
    %dma_start3A_33 = arith.constant 0 : i32
    %dma_start3A_34 = tpu.memref_slice %arg5[%dma_start3A_32, %dma_start3A_33] : memref<4x128xi32, #tpu.memory_space<vmem>> -> memref<1x128xi32, #tpu.memory_space<vmem>>
    %dma_start3A_35 = tpu.memref_squeeze %dma_start3A_34 : memref<1x128xi32, #tpu.memory_space<vmem>> -> memref<128xi32, #tpu.memory_space<vmem>>
    %dma_start3A_36 = arith.constant 0 : i32
    %dma_start3A_37 = arith.constant 0 : i32
    %dma_start3A_38 = tpu.memref_slice %arg2[%dma_start3A_36, %dma_start3A_37] : memref<206x64xf32, #tpu.memory_space<hbm>> -> memref<206x64xf32, #tpu.memory_space<hbm>>
    tpu.enqueue_indirect_dma source(%dma_start3A_38 : memref<206x64xf32, #tpu.memory_space<hbm>>) target(%arg9 : memref<128x64xf32, #tpu.memory_space<vmem>>) offsets(%dma_start3A_35 : memref<128xi32, #tpu.memory_space<vmem>>) semaphore(%arg14 : memref<!tpu.dma_semaphore, #tpu.memory_space<semaphore_mem>>)
    %dma_wait3A_39 = arith.constant 0 : i32
    %dma_wait3A_40 = arith.constant 0 : i32
    %dma_wait3A_41 = tpu.memref_slice %arg5[%dma_wait3A_39, %dma_wait3A_40] : memref<4x128xi32, #tpu.memory_space<vmem>> -> memref<1x128xi32, #tpu.memory_space<vmem>>
    %dma_wait3A_42 = tpu.memref_squeeze %dma_wait3A_41 : memref<1x128xi32, #tpu.memory_space<vmem>> -> memref<128xi32, #tpu.memory_space<vmem>>
    %dma_wait3A_43 = arith.constant 0 : i32
    %dma_wait3A_44 = arith.constant 0 : i32
    %dma_wait3A_45 = tpu.memref_slice %arg2[%dma_wait3A_43, %dma_wait3A_44] : memref<206x64xf32, #tpu.memory_space<hbm>> -> memref<206x64xf32, #tpu.memory_space<hbm>>
    tpu.wait_indirect_dma semaphore(%arg11 : memref<!tpu.dma_semaphore, #tpu.memory_space<semaphore_mem>>) src(%dma_wait3A_45 : memref<206x64xf32, #tpu.memory_space<hbm>>) dst(%arg6 : memref<128x64xf32, #tpu.memory_space<vmem>>)
    %add3A_46 = arith.constant 0 : i32
    %add3A_47 = arith.addi %mul3A_2, %add3A_46 : i32
    %dma_start3A_48 = arith.constant 0 : i32
    %dma_start3A_49 = tpu.memref_slice %arg4[%add3A_47, %dma_start3A_48] : memref<16384x128xf32, #tpu.memory_space<hbm>> -> memref<128x64xf32, #tpu.memory_space<hbm>>
    %dma_start3A_50 = arith.constant 0 : i32
    %dma_start3A_51 = tpu.memref_slice %arg4[%add3A_47, %dma_start3A_50] : memref<16384x128xf32, #tpu.memory_space<hbm>> -> memref<128x64xf32, #tpu.memory_space<hbm>>
    tpu.enqueue_dma source(%arg6 : memref<128x64xf32, #tpu.memory_space<vmem>>) target(%dma_start3A_51 : memref<128x64xf32, #tpu.memory_space<hbm>>) target_semaphore(%arg15 : memref<!tpu.dma_semaphore, #tpu.memory_space<semaphore_mem>>)
    %dma_wait3A_52 = arith.constant 1 : i32
    %dma_wait3A_53 = arith.constant 0 : i32
    %dma_wait3A_54 = tpu.memref_slice %arg5[%dma_wait3A_52, %dma_wait3A_53] : memref<4x128xi32, #tpu.memory_space<vmem>> -> memref<1x128xi32, #tpu.memory_space<vmem>>
    %dma_wait3A_55 = tpu.memref_squeeze %dma_wait3A_54 : memref<1x128xi32, #tpu.memory_space<vmem>> -> memref<128xi32, #tpu.memory_space<vmem>>
    %dma_wait3A_56 = arith.constant 0 : i32
    %dma_wait3A_57 = arith.constant 0 : i32
    %dma_wait3A_58 = tpu.memref_slice %arg2[%dma_wait3A_56, %dma_wait3A_57] : memref<206x64xf32, #tpu.memory_space<hbm>> -> memref<206x64xf32, #tpu.memory_space<hbm>>
    tpu.wait_indirect_dma semaphore(%arg12 : memref<!tpu.dma_semaphore, #tpu.memory_space<semaphore_mem>>) src(%dma_wait3A_58 : memref<206x64xf32, #tpu.memory_space<hbm>>) dst(%arg7 : memref<128x64xf32, #tpu.memory_space<vmem>>)
    %add3A_59 = arith.constant 128 : i32
    %add3A_60 = arith.addi %mul3A_2, %add3A_59 : i32
    %dma_start3A_61 = arith.constant 0 : i32
    %dma_start3A_62 = tpu.memref_slice %arg4[%add3A_60, %dma_start3A_61] : memref<16384x128xf32, #tpu.memory_space<hbm>> -> memref<128x64xf32, #tpu.memory_space<hbm>>
    %dma_start3A_63 = arith.constant 0 : i32
    %dma_start3A_64 = tpu.memref_slice %arg4[%add3A_60, %dma_start3A_63] : memref<16384x128xf32, #tpu.memory_space<hbm>> -> memref<128x64xf32, #tpu.memory_space<hbm>>
    tpu.enqueue_dma source(%arg7 : memref<128x64xf32, #tpu.memory_space<vmem>>) target(%dma_start3A_64 : memref<128x64xf32, #tpu.memory_space<hbm>>) target_semaphore(%arg15 : memref<!tpu.dma_semaphore, #tpu.memory_space<semaphore_mem>>)
    %dma_wait3A_65 = arith.constant 2 : i32
    %dma_wait3A_66 = arith.constant 0 : i32
    %dma_wait3A_67 = tpu.memref_slice %arg5[%dma_wait3A_65, %dma_wait3A_66] : memref<4x128xi32, #tpu.memory_space<vmem>> -> memref<1x128xi32, #tpu.memory_space<vmem>>
    %dma_wait3A_68 = tpu.memref_squeeze %dma_wait3A_67 : memref<1x128xi32, #tpu.memory_space<vmem>> -> memref<128xi32, #tpu.memory_space<vmem>>
    %dma_wait3A_69 = arith.constant 0 : i32
    %dma_wait3A_70 = arith.constant 0 : i32
    %dma_wait3A_71 = tpu.memref_slice %arg2[%dma_wait3A_69, %dma_wait3A_70] : memref<206x64xf32, #tpu.memory_space<hbm>> -> memref<206x64xf32, #tpu.memory_space<hbm>>
    tpu.wait_indirect_dma semaphore(%arg13 : memref<!tpu.dma_semaphore, #tpu.memory_space<semaphore_mem>>) src(%dma_wait3A_71 : memref<206x64xf32, #tpu.memory_space<hbm>>) dst(%arg8 : memref<128x64xf32, #tpu.memory_space<vmem>>)
    %add3A_72 = arith.constant 256 : i32
    %add3A_73 = arith.addi %mul3A_2, %add3A_72 : i32
    %dma_start3A_74 = arith.constant 0 : i32
    %dma_start3A_75 = tpu.memref_slice %arg4[%add3A_73, %dma_start3A_74] : memref<16384x128xf32, #tpu.memory_space<hbm>> -> memref<128x64xf32, #tpu.memory_space<hbm>>
    %dma_start3A_76 = arith.constant 0 : i32
    %dma_start3A_77 = tpu.memref_slice %arg4[%add3A_73, %dma_start3A_76] : memref<16384x128xf32, #tpu.memory_space<hbm>> -> memref<128x64xf32, #tpu.memory_space<hbm>>
    tpu.enqueue_dma source(%arg8 : memref<128x64xf32, #tpu.memory_space<vmem>>) target(%dma_start3A_77 : memref<128x64xf32, #tpu.memory_space<hbm>>) target_semaphore(%arg15 : memref<!tpu.dma_semaphore, #tpu.memory_space<semaphore_mem>>)
    %dma_wait3A_78 = arith.constant 3 : i32
    %dma_wait3A_79 = arith.constant 0 : i32
    %dma_wait3A_80 = tpu.memref_slice %arg5[%dma_wait3A_78, %dma_wait3A_79] : memref<4x128xi32, #tpu.memory_space<vmem>> -> memref<1x128xi32, #tpu.memory_space<vmem>>
    %dma_wait3A_81 = tpu.memref_squeeze %dma_wait3A_80 : memref<1x128xi32, #tpu.memory_space<vmem>> -> memref<128xi32, #tpu.memory_space<vmem>>
    %dma_wait3A_82 = arith.constant 0 : i32
    %dma_wait3A_83 = arith.constant 0 : i32
    %dma_wait3A_84 = tpu.memref_slice %arg2[%dma_wait3A_82, %dma_wait3A_83] : memref<206x64xf32, #tpu.memory_space<hbm>> -> memref<206x64xf32, #tpu.memory_space<hbm>>
    tpu.wait_indirect_dma semaphore(%arg14 : memref<!tpu.dma_semaphore, #tpu.memory_space<semaphore_mem>>) src(%dma_wait3A_84 : memref<206x64xf32, #tpu.memory_space<hbm>>) dst(%arg9 : memref<128x64xf32, #tpu.memory_space<vmem>>)
    %add3A_85 = arith.constant 384 : i32
    %add3A_86 = arith.addi %mul3A_2, %add3A_85 : i32
    %dma_start3A_87 = arith.constant 0 : i32
    %dma_start3A_88 = tpu.memref_slice %arg4[%add3A_86, %dma_start3A_87] : memref<16384x128xf32, #tpu.memory_space<hbm>> -> memref<128x64xf32, #tpu.memory_space<hbm>>
    %dma_start3A_89 = arith.constant 0 : i32
    %dma_start3A_90 = tpu.memref_slice %arg4[%add3A_86, %dma_start3A_89] : memref<16384x128xf32, #tpu.memory_space<hbm>> -> memref<128x64xf32, #tpu.memory_space<hbm>>
    tpu.enqueue_dma source(%arg9 : memref<128x64xf32, #tpu.memory_space<vmem>>) target(%dma_start3A_90 : memref<128x64xf32, #tpu.memory_space<hbm>>) target_semaphore(%arg15 : memref<!tpu.dma_semaphore, #tpu.memory_space<semaphore_mem>>)
    %dma_wait3A_91 = arith.constant 0 : i32
    %dma_wait3A_92 = tpu.memref_slice %arg4[%add3A_47, %dma_wait3A_91] : memref<16384x128xf32, #tpu.memory_space<hbm>> -> memref<128x64xf32, #tpu.memory_space<hbm>>
    %dma_wait3A_93 = arith.constant 0 : i32
    %dma_wait3A_94 = tpu.memref_slice %arg4[%add3A_47, %dma_wait3A_93] : memref<16384x128xf32, #tpu.memory_space<hbm>> -> memref<128x64xf32, #tpu.memory_space<hbm>>
    tpu.wait_dma2 semaphore(%arg15 : memref<!tpu.dma_semaphore, #tpu.memory_space<semaphore_mem>>) src(%arg6 : memref<128x64xf32, #tpu.memory_space<vmem>>) dst(%dma_wait3A_94 : memref<128x64xf32, #tpu.memory_space<hbm>>)
    %dma_wait3A_95 = arith.constant 0 : i32
    %dma_wait3A_96 = tpu.memref_slice %arg4[%add3A_60, %dma_wait3A_95] : memref<16384x128xf32, #tpu.memory_space<hbm>> -> memref<128x64xf32, #tpu.memory_space<hbm>>
    %dma_wait3A_97 = arith.constant 0 : i32
    %dma_wait3A_98 = tpu.memref_slice %arg4[%add3A_60, %dma_wait3A_97] : memref<16384x128xf32, #tpu.memory_space<hbm>> -> memref<128x64xf32, #tpu.memory_space<hbm>>
    tpu.wait_dma2 semaphore(%arg15 : memref<!tpu.dma_semaphore, #tpu.memory_space<semaphore_mem>>) src(%arg7 : memref<128x64xf32, #tpu.memory_space<vmem>>) dst(%dma_wait3A_98 : memref<128x64xf32, #tpu.memory_space<hbm>>)
    %dma_wait3A_99 = arith.constant 0 : i32
    %dma_wait3A_100 = tpu.memref_slice %arg4[%add3A_73, %dma_wait3A_99] : memref<16384x128xf32, #tpu.memory_space<hbm>> -> memref<128x64xf32, #tpu.memory_space<hbm>>
    %dma_wait3A_101 = arith.constant 0 : i32
    %dma_wait3A_102 = tpu.memref_slice %arg4[%add3A_73, %dma_wait3A_101] : memref<16384x128xf32, #tpu.memory_space<hbm>> -> memref<128x64xf32, #tpu.memory_space<hbm>>
    tpu.wait_dma2 semaphore(%arg15 : memref<!tpu.dma_semaphore, #tpu.memory_space<semaphore_mem>>) src(%arg8 : memref<128x64xf32, #tpu.memory_space<vmem>>) dst(%dma_wait3A_102 : memref<128x64xf32, #tpu.memory_space<hbm>>)
    %dma_wait3A_103 = arith.constant 0 : i32
    %dma_wait3A_104 = tpu.memref_slice %arg4[%add3A_86, %dma_wait3A_103] : memref<16384x128xf32, #tpu.memory_space<hbm>> -> memref<128x64xf32, #tpu.memory_space<hbm>>
    %dma_wait3A_105 = arith.constant 0 : i32
    %dma_wait3A_106 = tpu.memref_slice %arg4[%add3A_86, %dma_wait3A_105] : memref<16384x128xf32, #tpu.memory_space<hbm>> -> memref<128x64xf32, #tpu.memory_space<hbm>>
    tpu.wait_dma2 semaphore(%arg15 : memref<!tpu.dma_semaphore, #tpu.memory_space<semaphore_mem>>) src(%arg9 : memref<128x64xf32, #tpu.memory_space<vmem>>) dst(%dma_wait3A_106 : memref<128x64xf32, #tpu.memory_space<hbm>>)
    return
  }
}

</mosaic_0001>

<sc_bundles>
// kernel: kernel.3.cloned.1.call-start
scs
__scs_entry_jumppad:
0x0: {  	(pc) =	sbr.rel $0x88, $3  }
0x1: {  	(tag) =	ssettag $0x0;
	lr =	simm.s32 $0x1  }
0x2: {  	[smem:$0x3F9E] =	sst lr;
	_ =	strace $0xD0000000  }
0x3: {  	_ = 	snop  }
0x4: {  	_ = 	snop  }
0x5: {  	_ = 	snop  }
0x6: {  	_ = 	snop  }
0x7: {  	_ = 	snop  }
__scs_overlays_trampoline_lowered:
0x8: {  	[smem:$0x3FAD] =	sst s0  }
0x9: {  	[smem:$0x3FAE] =	sst s1  }
0xa: {  	[smem:$0x3FAF] =	sst s2  }
0xb: {  	[smem:$0x3FB0] =	sst s3  }
0xc: {  	[smem:$0x3FB1] =	sst s4  }
0xd: {  	[smem:$0x3FB2] =	sst s5  }
0xe: {  	[smem:$0x3FB3] =	sst s6  }
0xf: {  	[smem:$0x3FB4] =	sst s7  }
0x10: {  	[smem:$0x3FB5] =	sst s8  }
0x11: {  	[smem:$0x3FB6] =	sst s9;
	s0 =	simm.s32 @!p0 $0x0  }
0x12: {  	s1 =	sld [smem:$0x3F9C];
	s0 =	simm.s32 @p0 $0x1  }
0x13: {  	[smem:$0x3FB7] =	sst s0;
	s0 =	simm.s32 @!p1 $0x0  }
0x14: {  	s2 =	sld [smem:$0x3F9B];
	s0 =	simm.s32 @p1 $0x1  }
0x15: {  	[smem:$0x3FB8] =	sst s0;
	s0 =	simm.s32 @!p2 $0x0  }
0x16: {  	s3 =	sld [smem:$0x3FDB];
	s0 =	simm.s32 @p2 $0x1  }
0x17: {  	s4 =	simm.s32 $0x1BF5;
	[smem:$0x3FBA] =	sst s0  }
0x18: {  	s0 =	sld [smem:$0x3F9D];
	_ =	swait.ge [sflag:s4], $0x0  }
0x19: {  	s7 =	sld [smem:$0x3F9E]  }
0x1a: {  	s8 =	sadd.s32 $0xFFFFE003, lr  }
0x1b: {  	s9 =	sadd.s32 $0xFFFFFEF7, lr;
	s5 =	simm.s32 $0xFFFFFFFF;
	p2 =	slt.u32 s8, $0xFFFFF086  }
0x1c: {  	p1 =	slt.u32 s9, $0xF7A;
	s5 =	simm.s32 @!p2 $0x0  }
0x1d: {  	s5 =	simm.s32 @p1 $0x1;
	p0 =	seq.s32 s7, s2  }
0x1e: {  	s7 =	smul.u32 @!p0 $0xF7A, s2;
	p2 =	seq.s32 @!p0 s5, $0x0  }
0x1f: {  	s9 =	smul.u32 $0xF7A, s1;
	s8 =	simm.s32 @!p0 $0x1BF5;
	p2 =	por !p2, p0  }
0x20: {  	[sflag:s8] =	ssyncset.s32 @!p0 $0xFFFFF086;
	s6 =	sadd.s32 @!p0 s3, s7;
	s7 =	simm.s32 @!p0 $0x108  }
0x21: {  	s3 =	sadd.s32 s3, s9;
	s6 =	sadd.s32 @!p0 $0x88, s6;
	s7 =	simm.s32 @p2 $0x1082  }
0x22: {  	[simem:s7], [sflag:s8] =	dma.local @!p0 [hbm:s6], $0xF7A  }
0x23: {  	s9 =	sor.u32 $0xD0000000, s2;
	s6 =	simm.s32 $0x108;
	_ =	swait.ge @!p0 [sflag:s8], $0x0  }
0x24: {  	s3 =	sadd.s32 $0x88, s3;
	s6 =	simm.s32 @!p1 $0x1082;
	[sflag:s4] =	ssyncset.s32 $0xFFFFF086  }
0x25: {  	[simem:s6], [sflag:s4] =	dma.local [hbm:s3], $0xF7A  }
0x26: {  	[smem:$0x3F9E] =	sst s1;
	(tag) =	ssettag s2;
	_ =	strace s9  }
0x27: {  	s1 =	sld [smem:$0x3FAE]  }
0x28: {  	s2 =	sld [smem:$0x3FAF]  }
0x29: {  	s4 =	sld [smem:$0x3FB1]  }
0x2a: {  	p0 =	seq.s32 s5, $0x0;
	s5 =	sld [smem:$0x3FB2]  }
0x2b: {  	s6 =	sld [smem:$0x3FB3]  }
0x2c: {  	s7 =	sld [smem:$0x3FB4]  }
0x2d: {  	s3 =	simm.s32 $0x108;
	s8 =	sld [smem:$0x3FB5]  }
0x2e: {  	s3 =	simm.s32 @!p0 $0x1082;
	s9 =	sld [smem:$0x3FB6]  }
0x2f: {  	lr =	sadd.s32 s0, s3;
	s0 =	sld [smem:$0x3FAD]  }
0x30: {  	s3 =	sld [smem:$0x3FB0]  }
0x31: {  	[smem:$0x3FB9] =	sst s10  }
0x32: {  	s10 =	sld [smem:$0x3FB7];
	_ =	sdelay $0x3  }
0x33: {  	p0 =	seq.s32 s10, $0x1;
	s10 =	sld [smem:$0x3FB9];
	_ =	sdelay $0x3  }
0x34: {  	[smem:$0x3FB9] =	sst s10  }
0x35: {  	s10 =	sld [smem:$0x3FB8];
	_ =	sdelay $0x3  }
0x36: {  	p1 =	seq.s32 s10, $0x1;
	s10 =	sld [smem:$0x3FB9];
	_ =	sdelay $0x3  }
0x37: {  	[smem:$0x3FB9] =	sst s10  }
0x38: {  	s10 =	sld [smem:$0x3FBA]  }
0x39: {  	_ = 	snop;
	(pc) =	sbr.ind lr, $3  }
0x3a: {  	_ = 	snop  }
0x3b: {  	_ = 	snop  }
0x3c: {  	p2 =	seq.s32 s10, $0x1;
	s10 =	sld [smem:$0x3FB9]  }
0x3d: {  	_ =	shalt  }
0x3e: {  	_ =	shalt  }
0x3f: {  	_ =	shalt  }
0x40: {  	_ =	shalt  }
0x41: {  	_ =	shalt  }
0x42: {  	_ =	shalt  }
0x43: {  	_ =	shalt  }
0x44: {  	_ =	shalt  }
0x45: {  	_ =	shalt  }
0x46: {  	_ =	shalt  }
0x47: {  	_ =	shalt  }
0x48: {  	_ =	shalt  }
0x49: {  	_ =	shalt  }
0x4a: {  	_ =	shalt  }
0x4b: {  	_ =	shalt  }
0x4c: {  	_ =	shalt  }
0x4d: {  	_ =	shalt  }
0x4e: {  	_ =	shalt  }
0x4f: {  	_ =	shalt  }
0x50: {  	_ =	shalt  }
0x51: {  	_ =	shalt  }
0x52: {  	_ =	shalt  }
0x53: {  	_ =	shalt  }
0x54: {  	_ =	shalt  }
0x55: {  	_ =	shalt  }
0x56: {  	_ =	shalt  }
0x57: {  	_ =	shalt  }
0x58: {  	_ =	shalt  }
0x59: {  	_ =	shalt  }
0x5a: {  	_ =	shalt  }
0x5b: {  	_ =	shalt  }
0x5c: {  	_ =	shalt  }
0x5d: {  	_ =	shalt  }
0x5e: {  	_ =	shalt  }
0x5f: {  	_ =	shalt  }
0x60: {  	_ =	shalt  }
0x61: {  	_ =	shalt  }
0x62: {  	_ =	shalt  }
0x63: {  	_ =	shalt  }
0x64: {  	_ =	shalt  }
0x65: {  	_ =	shalt  }
0x66: {  	_ =	shalt  }
0x67: {  	_ =	shalt  }
0x68: {  	_ =	shalt  }
0x69: {  	_ =	shalt  }
0x6a: {  	_ =	shalt  }
0x6b: {  	_ =	shalt  }
0x6c: {  	_ =	shalt  }
0x6d: {  	_ =	shalt  }
0x6e: {  	_ =	shalt  }
0x6f: {  	_ =	shalt  }
0x70: {  	_ =	shalt  }
0x71: {  	_ =	shalt  }
0x72: {  	_ =	shalt  }
0x73: {  	_ =	shalt  }
0x74: {  	_ =	shalt  }
0x75: {  	_ =	shalt  }
0x76: {  	_ =	shalt  }
0x77: {  	_ =	shalt  }
0x78: {  	_ =	shalt  }
0x79: {  	_ =	shalt  }
0x7a: {  	_ =	shalt  }
0x7b: {  	_ =	shalt  }
0x7c: {  	_ =	shalt  }
0x7d: {  	_ =	shalt  }
0x7e: {  	_ =	shalt  }
0x7f: {  	_ =	shalt  }
0x80: {  	_ =	shalt  }
0x81: {  	_ =	shalt  }
0x82: {  	_ =	shalt  }
0x83: {  	_ =	shalt  }
0x84: {  	_ =	shalt  }
0x85: {  	_ =	shalt  }
0x86: {  	_ =	shalt  }
0x87: {  	_ =	shalt  }
.Lfunc_end0:
.L_simem_size_0:
called_computation_lowered:
.L_overlay_start_0:
0x88: {  	s2 =	sld [smem:$0x3FD9]  }
0x89: {  	s3 =	sld [smem:$0x3FFE];
	_ =	sdelay $0x1  }
0x8a: {  	s1 =	srdreg.scid  }
0x8b: {  	s0 =	sand.u32 $0x1, s1  }
0x8c: {  	s17 =	sshll.u32 s0, $0xA;
	s2 =	sadd.s32 s3, s2  }
0x8d: {  	s2 =	sadd.s32 s2, s17  }
0x8e: {  	[smem:$0x3FC5] =	sst s2  }
0x8f: {  	_ = 	snop  }
0x90: {  	s2 =	sld [smem:$0x3FC9]  }
0x91: {  	s18 =	sld [smem:$0x3FD0];
	(tm) =	ssettm $0x1  }
0x92: {  	s4 =	sld [smem:$0x3FFB];
	_ =	sdelay $0x3  }
0x93: {  	_ =	strace s4  }
0x94: {  	s4 =	sld [smem:$0x3FFC];
	_ =	sdelay $0x3  }
0x95: {  	_ =	strace s4  }
0x96: {  	s4 =	sld [smem:$0x3FFD];
	_ =	sdelay $0x3  }
0x97: {  	_ =	strace s4  }
0x98: {  	_ =	strace $0x8FFFFFFF  }
0x99: {  	s19 =	sld [smem:$0x3FDB];
	_ =	sdelay $0x1  }
0x9a: {  	s5 =	simm.s32 $_scs_section_size  }
0x9b: {  	s6 =	simm.s32 $_size__tile_overlayer_lowered;
	s7 =	simm.s32 $_tile_overlayer_lowered  }
0x9c: {  	s22 =	simm.s32 $0x1BFF;
	s21 =	sshll.u32 s7, $0x1;
	s4 =	sadd.s32 s5, s19  }
0x9d: {  	s8 =	simm.s32 $0x0;
	s20 =	sshll.u32 s6, $0x1;
	s6 =	sadd.s32 s21, s4  }
0x9e: {  	[timem:s8], [sflag:s22] =	dma.local [hbm:s6], s20  }
0x9f: {  	_ =	swait.ge [sflag:s22], s20  }
0xa0: {  	s5 =	ssub.s32 $0x0, s20;
	[sflag:s22] =	ssyncset.done $0x0  }
0xa1: {  	[sflag:s22] =	ssyncadd.s32 s5;
	_ =	sdelay $0x1  }
0xa2: {  	s23 =	simm.s32 $0x1B8B  }
0xa3: {  	_ =	swait.ge [sflag:s23], $0x1  }
0xa4: {  	[sflag:s23] =	ssyncset.done $0x0  }
0xa5: {  	s25 =	simm.s32 $0x1B8E;
	s24 =	sld [smem:$0x3FFE];
	[sflag:s23] =	ssyncadd.s32 $0xFFFFFFFF  }
0xa6: {  	s26 =	simm.s32 $execute0_lowered;
	[smem:$0x3FD2] =	sst s25  }
0xa7: {  	s6 =	sshll.u32 s26, $0x1;
	_ =	strace $0x80000046;
	[dreg:$0x1] =	wrdreg $0xFFFFFFFF  }
0xa8: {  	s28 =	simm.s32 $_size_execute0_lowered;
	s4 =	sadd.s32 s4, s6;
	[dreg:$0x0] =	wrdreg $0x0  }
0xa9: {  	s6 =	sshll.u32 s28, $0x1;
	[dreg:$0x2] =	wrdreg s4  }
0xaa: {  	[dreg:$0x3] =	wrdreg s6  }
0xab: {  	[dreg:$0x4] =	wrdreg $0xC0  }
0xac: {  	_ =	task [dreg:s8], $0x5FFFF  }
0xad: {  	[dreg:$0x1] =	wrdreg $0xFFFFFFFF  }
0xae: {  	[dreg:$0x0] =	wrdreg $0x60  }
0xaf: {  	[dreg:$0x2] =	wrdreg s18  }
0xb0: {  	[dreg:$0x3] =	wrdreg s2  }
0xb1: {  	[dreg:$0x4] =	wrdreg s24  }
0xb2: {  	[dreg:$0x5] =	wrdreg $0x9  }
0xb3: {  	_ =	task.clear_ibuf [dreg:s8], $0x6FFFF;
	_ =	strace $0x90000046  }
0xb4: {  	s29 =	simm.s32 $0x9;
	_ =	strace $0x80000048  }
0xb5: {  	_ =	swait.ge [sflag:s29], $0x1  }
0xb6: {  	[sflag:s29] =	ssyncadd.s32 $0xFFFFFFFF  }
0xb7: {  	_ =	strace $0x90000048  }
0xb8: {  	_ =	sfence  }
0xb9: {  	s30 =	sld [smem:$0x0];
	_ =	sdelay $0x2  }
0xba: {  	s31 =	sshll.u32 s1, $0xD;
	s1 =	sshrl.u32 s1, $0x2  }
0xbb: {  	s3 =	sand.u32 $0x4000, s31;
	s1 =	sadd.s32 s1, s30  }
0xbc: {  	s0 =	sor.u32 s3, s0;
	s1 =	sshll.u32 s1, $0x11  }
0xbd: {  	s0 =	sor.u32 s1, s0  }
0xbe: {  	s0 =	sadd.s32 $0x8F2B, s0  }
0xbf: {  	[sflag:s0] =	ssyncadd.remote.s32 $0x1  }
0xc0: {  	_ =	sfence.sel $0xFFFF  }
0xc1: {  	[dreg:$0x0] =	wrdreg $0xFFFFFFFF;
	(pc) =	sbr.abs _section_cstart, $3  }
0xc2: {  	[dreg:$0x1] =	wrdreg $0xFFFFFFFF  }
0xc3: {  	_ =	task.clear_ibuf [dreg:s8], $0x2FFFF;
	_ =	strace $0x9FFFFFFF  }
0xc4: {  	(tm) =	ssettm $0x7FFFFFFF  }
0xc5: {  	_ =	shalt  }
tec
execute0_lowered:
.L_overlay_start_1:
0x0: {  	(tag) =	ssettag $0x1  }
0x1: {  	s2 =	rddreg [dreg:$0x0]  }
0x2: {  	s4 =	rddreg [dreg:$0x1]  }
0x3: {  	s1 =	srdreg.scid;
	s0 =	stileid.u32  }
0x4: {  	s14 =	rddreg [dreg:$0x2];
	s23 =	sand.u32 $0x1, s1;
	s5 =	sshll.u32 s0, $0x1  }
0x5: {  	s3 =	simm.s32 $0x0;
	s1 =	rddreg [dreg:$0x3];
	s9 =	sor.u32 s23, s5  }
0x6: {  	[smem:$0x7FF] =	sst s3;
	s5 =	sshll.u32 s9, $0x6  }
0x7: {  	_ =	strace $0x80000047;
	s4 =	sadd.s32 s4, s5;
	s5 =	simm.s32 $0x1  }
0x8: {  	[tilespmem:s3], [sflag:$0x1] =	stream.linear.gather [hbm4b:s4+s3], $0x200, $0x38;
	[tilespmem:$0x8200] =	vst v63  }
0x9: {  	_ =	swait.ge [sflag:s5], $0x200  }
0xa: {  	[sflag:s5] =	ssyncset.done $0x0  }
0xb: {  	s6 =	simm.s32 $0x80;
	s7 =	simm.s32 $0x200;
	[sflag:s5] =	ssyncadd.s32 $0xFFFFFE00  }
0xc: {  	[tilespmem:s7], [sflag:$0x2] =	stream.indirect.gather [hbm4b:s2+s6], $0x40, s3, s6, $0xb8;
	[tilespmem:$0x8200] =	vst v63  }
0xd: {  	s8 =	simm.s32 $0x2200  }
0xe: {  	[tilespmem:s8], [sflag:$0x3] =	stream.indirect.gather [hbm4b:s2+s6], $0x40, s6, s6, $0xb8;
	[tilespmem:$0x8200] =	vst v63  }
0xf: {  	s10 =	simm.s32 $0x4200;
	s15 =	sshll.u32 s9, $0xD;
	s9 =	simm.s32 $0x100  }
0x10: {  	[tilespmem:s10], [sflag:$0x4] =	stream.indirect.gather [hbm4b:s2+s6], $0x40, s9, s6, $0xb8;
	[tilespmem:$0x8200] =	vst v63  }
0x11: {  	s11 =	simm.s32 $0x180;
	s12 =	simm.s32 $0x6200;
	s13 =	simm.s32 $0x2  }
0x12: {  	[tilespmem:s12], [sflag:$0x5] =	stream.indirect.gather [hbm4b:s2+s6], $0x40, s11, s6, $0xb8;
	[tilespmem:$0x8200] =	vst v63  }
0x13: {  	_ =	swait.ge [sflag:s13], $0x2000  }
0x14: {  	s16 =	simm.s32 $0x3;
	s21 =	sadd.s32 s15, s14;
	[sflag:s13] =	ssyncset.done $0x0  }
0x15: {  	s15 =	simm.s32 $0x40;
	s14 =	sadd.s32 $0x600, s21;
	[sflag:s13] =	ssyncadd.s32 $0xFFFFE000  }
0x16: {  	[hbm4b:s14+s15] =	stream.strided.scatter [tilespmem:s7], [sflag:$0x6], $0x2000, s6, s15, $0x38;
	[tilespmem:$0x8200] =	vst v63  }
0x17: {  	_ =	swait.ge [sflag:s16], $0x2000  }
0x18: {  	[sflag:s16] =	ssyncset.done $0x0  }
0x19: {  	s18 =	simm.s32 $0x4;
	s17 =	sadd.s32 $0xE00, s21;
	[sflag:s16] =	ssyncadd.s32 $0xFFFFE000  }
0x1a: {  	[hbm4b:s17+s15] =	stream.strided.scatter [tilespmem:s8], [sflag:$0x6], $0x2000, s6, s15, $0x38;
	[tilespmem:$0x8200] =	vst v63  }
0x1b: {  	_ =	swait.ge [sflag:s18], $0x2000  }
0x1c: {  	[sflag:s18] =	ssyncset.done $0x0  }
0x1d: {  	s20 =	simm.s32 $0x5;
	s19 =	sadd.s32 $0x1600, s21;
	[sflag:s18] =	ssyncadd.s32 $0xFFFFE000  }
0x1e: {  	[hbm4b:s19+s15] =	stream.strided.scatter [tilespmem:s10], [sflag:$0x6], $0x2000, s6, s15, $0x38;
	[tilespmem:$0x8200] =	vst v63  }
0x1f: {  	_ =	swait.ge [sflag:s20], $0x2000  }
0x20: {  	[sflag:s20] =	ssyncset.done $0x0  }
0x21: {  	s22 =	sadd.s32 $0x1E00, s21;
	s21 =	simm.s32 $0x6;
	[sflag:s20] =	ssyncadd.s32 $0xFFFFE000  }
0x22: {  	[hbm4b:s22+s15] =	stream.strided.scatter [tilespmem:s12], [sflag:$0x6], $0x2000, s6, s15, $0x38;
	[tilespmem:$0x8200] =	vst v63  }
0x23: {  	_ =	swait.ge [sflag:s21], $0x2000  }
0x24: {  	s23 =	ssub.s32 $0x2, s23;
	[sflag:s21] =	ssyncset.done $0x0  }
0x25: {  	s24 =	sshrl.u32 s23, $0x1;
	[sflag:s21] =	ssyncadd.s32 $0xFFFFE000  }
0x26: {  	s23 =	ssub.s32 s23, s24;
	_ =	swait.ge [sflag:s21], $0x2000  }
0x27: {  	s23 =	smax.u32 s23, $0x1;
	[sflag:s21] =	ssyncset.done $0x0  }
0x28: {  	p0 =	sne.s32 s23, $0x1;
	[sflag:s21] =	ssyncadd.s32 $0xFFFFE000  }
.Ltmp0:
0x29: {  	_ =	swait.ge [sflag:s21], $0x2000;
	(pc) =	sbr.rel @!p0 .LBB2_2-.Ltmp0, $4  }
0x2a: {  	[sflag:s21] =	ssyncset.done $0x0  }
0x2b: {  	[sflag:s21] =	ssyncadd.s32 $0xFFFFE000  }
0x2c: {  	_ =	swait.ge [sflag:s21], $0x2000  }
0x2d: {  	s23 =	sadd.s32 $0xFFFFFFFF, s23;
	[sflag:s21] =	ssyncset.done $0x0  }
.LBB2_1:
0x2e: {  	p0 =	sne.s32 s23, $0x1;
	s23 =	sadd.s32 $0xFFFFFFFF, s23;
	[sflag:s21] =	ssyncadd.s32 $0xFFFFE000  }
0x2f: {  	[tilespmem:s3], [sflag:$0x1] =	stream.linear.gather [hbm4b:s4+s3], $0x200, $0x38;
	[tilespmem:$0x8200] =	vst v63  }
0x30: {  	_ =	swait.ge [sflag:s5], $0x200  }
0x31: {  	[sflag:s5] =	ssyncset.done $0x0  }
0x32: {  	[sflag:s5] =	ssyncadd.s32 $0xFFFFFE00  }
0x33: {  	[tilespmem:s7], [sflag:$0x2] =	stream.indirect.gather [hbm4b:s2+s6], $0x40, s3, s6, $0xb8;
	[tilespmem:$0x8200] =	vst v63  }
0x34: {  	_ = 	snop  }
0x35: {  	[tilespmem:s8], [sflag:$0x3] =	stream.indirect.gather [hbm4b:s2+s6], $0x40, s6, s6, $0xb8;
	[tilespmem:$0x8200] =	vst v63  }
0x36: {  	_ = 	snop  }
0x37: {  	[tilespmem:s10], [sflag:$0x4] =	stream.indirect.gather [hbm4b:s2+s6], $0x40, s9, s6, $0xb8;
	[tilespmem:$0x8200] =	vst v63  }
0x38: {  	_ = 	snop  }
0x39: {  	[tilespmem:s12], [sflag:$0x5] =	stream.indirect.gather [hbm4b:s2+s6], $0x40, s11, s6, $0xb8;
	[tilespmem:$0x8200] =	vst v63  }
0x3a: {  	_ =	swait.ge [sflag:s13], $0x2000  }
0x3b: {  	[sflag:s13] =	ssyncset.done $0x0  }
0x3c: {  	[sflag:s13] =	ssyncadd.s32 $0xFFFFE000  }
0x3d: {  	[hbm4b:s14+s15] =	stream.strided.scatter [tilespmem:s7], [sflag:$0x6], $0x2000, s6, s15, $0x38;
	[tilespmem:$0x8200] =	vst v63  }
0x3e: {  	_ =	swait.ge [sflag:s16], $0x2000  }
0x3f: {  	[sflag:s16] =	ssyncset.done $0x0  }
0x40: {  	[sflag:s16] =	ssyncadd.s32 $0xFFFFE000  }
0x41: {  	[hbm4b:s17+s15] =	stream.strided.scatter [tilespmem:s8], [sflag:$0x6], $0x2000, s6, s15, $0x38;
	[tilespmem:$0x8200] =	vst v63  }
0x42: {  	_ =	swait.ge [sflag:s18], $0x2000  }
0x43: {  	[sflag:s18] =	ssyncset.done $0x0  }
0x44: {  	[sflag:s18] =	ssyncadd.s32 $0xFFFFE000  }
0x45: {  	[hbm4b:s19+s15] =	stream.strided.scatter [tilespmem:s10], [sflag:$0x6], $0x2000, s6, s15, $0x38;
	[tilespmem:$0x8200] =	vst v63  }
0x46: {  	_ =	swait.ge [sflag:s20], $0x2000  }
0x47: {  	[sflag:s20] =	ssyncset.done $0x0  }
0x48: {  	[sflag:s20] =	ssyncadd.s32 $0xFFFFE000  }
0x49: {  	[hbm4b:s22+s15] =	stream.strided.scatter [tilespmem:s12], [sflag:$0x6], $0x2000, s6, s15, $0x38;
	[tilespmem:$0x8200] =	vst v63  }
0x4a: {  	_ =	swait.ge [sflag:s21], $0x2000  }
0x4b: {  	[sflag:s21] =	ssyncset.done $0x0  }
0x4c: {  	[sflag:s21] =	ssyncadd.s32 $0xFFFFE000  }
0x4d: {  	_ =	swait.ge [sflag:s21], $0x2000  }
0x4e: {  	[sflag:s21] =	ssyncset.done $0x0  }
0x4f: {  	[sflag:s21] =	ssyncadd.s32 $0xFFFFE000  }
.Ltmp1:
0x50: {  	_ =	swait.ge [sflag:s21], $0x2000;
	(pc) =	sbr.rel @p0 .LBB2_1-.Ltmp1, $4  }
0x51: {  	[sflag:s21] =	ssyncset.done $0x0  }
0x52: {  	[sflag:s21] =	ssyncadd.s32 $0xFFFFE000  }
0x53: {  	_ =	swait.ge [sflag:s21], $0x2000  }
0x54: {  	[sflag:s21] =	ssyncset.done $0x0  }
.LBB2_2:
0x55: {  	[sflag:s21] =	ssyncadd.s32 $0xFFFFE000  }
0x56: {  	_ =	sfence.sel $0x180000  }
0x57: {  	[bflag:$0x0] =	sbarrier.arrive $0xFFFF  }
0x58: {  	p0 =	sne.s32 s0, $0x0;
	_ =	strace $0x90000047  }
0x59: {  	s0 =	sadd.s32 @!p0 $0x100000, s1;
	[bflag:$0x2] =	sbarrier.arrive $0xFFFF  }
0x5a: {  	[sflag:s0] =	ssyncadd.tile.s32 @!p0 $0x1;
	_ =	shalt  }
.Lfunc_end2:
_tile_overlayer_lowered:
.L_overlay_start_2:
0x5b: {  	(tag) =	ssettag $0x2  }
0x5c: {  	s0 =	rddreg [dreg:$0x0];
	s2 =	stileid.u32  }
0x5d: {  	s1 =	rddreg [dreg:$0x1];
	p0 =	sne.s32 s2, $0x0  }
0x5e: {  	s3 =	rddreg [dreg:$0x2];
	[bflag:$0x3] =	sbarrier.arrive $0xFFFF;
	s2 =	simm.s32 @!p0 $0x1C07  }
0x5f: {  	[timem:s3], [sflag:s2] =	dma.local @!p0 [hbm:s0], s1  }
0x60: {  	s0 =	simm.s32 @!p0 $0x7  }
0x61: {  	_ =	swait.ge @!p0 [sflag:s0], s1  }
0x62: {  	s1 =	ssub.s32 @!p0 $0x0, s1;
	[sflag:s0] =	ssyncset.done @!p0 $0x0  }
0x63: {  	[sflag:s0] =	ssyncadd.s32 @!p0 s1  }
0x64: {  	[bflag:$0x3] =	sbarrier.arrive $0xFFFF  }
0x65: {  	_ =	shalt  }

</sc_bundles>
